<compile_context>
chip_gen: v7x
topology: tpu7x:2x2x1
jax: 0.10.2.dev20260603
libtpu: 0.0.44.dev20260713+nightly
codegen_flags: <defaults>
</compile_context>

<pallas_src>
import functools

import jax
import jax.numpy as jnp
from jax import lax
from jax.experimental import pallas as pl
from jax.experimental.pallas import tpu as pltpu
from jax.experimental.pallas import tpu_sc as plsc

_K = 128


def _scs_body(t_hbm, iv_hbm, out_hbm, t_s, iv_s, out_s, sem_t, sem_iv):
    @pl.when(lax.axis_index("c") == 0)
    def _():
        cp_t = pltpu.make_async_copy(t_hbm, t_s, sem_t)
        cp_iv = pltpu.make_async_copy(iv_hbm, iv_s, sem_iv)
        cp_t.start()
        cp_iv.start()
        cp_t.wait()
        cp_iv.wait()
        t = t_s[0]

        def cond(state):
            i, found = state
            return jnp.logical_and(i < _K, jnp.logical_not(found))

        def step(state):
            i, _ = state
            hit = jnp.logical_and(t >= iv_s[2 * i], t <= iv_s[2 * i + 1])
            return jnp.where(hit, i, i + 1), hit

        i, found = lax.while_loop(cond, step, (jnp.int32(0), jnp.bool_(False)))
        out_s[0] = jnp.where(found, i, jnp.int32(-1))
        pltpu.sync_copy(out_s, out_hbm)


@jax.jit
def _time_to_interval(tv, flat):
    run = functools.partial(
        pl.kernel,
        out_type=jax.ShapeDtypeStruct((1,), jnp.int32),
        mesh=plsc.ScalarSubcoreMesh(axis_name="c", num_cores=1),
        compiler_params=pltpu.CompilerParams(
            needs_layout_passes=False, skip_device_barrier=True
        ),
        scratch_types=[
            pltpu.SMEM((1,), jnp.float32),
            pltpu.SMEM((2 * _K,), jnp.float32),
            pltpu.SMEM((1,), jnp.int32),
            pltpu.SemaphoreType.DMA,
            pltpu.SemaphoreType.DMA,
        ],
    )(_scs_body)
    return run(tv, flat)


def kernel(t, intervals):
    tv = jnp.reshape(jnp.asarray(t, jnp.float32), (1,))
    flat = jnp.reshape(jnp.asarray(intervals, jnp.float32), (2 * _K,))
    out = _time_to_interval(tv, flat)
    return jnp.reshape(out, ())

# --- scband reference (transcript-rebuilt; emitter-appended) ---
"""Pipeline reference for scband-time-to-interval-9363028706202 (READ-ONLY COPY).

The authoritative reference and input builder live on the scoring server;
editing this copy changes nothing except your own understanding.
"""

import jax, jax.numpy as jnp
import numpy as np

NUM_INTERVALS = 128

def setup_inputs(seed: int = 0) -> dict:
    key = jax.random.key(seed)
    # scalar timestamp in [0, 1) per fill=rand; lands inside interval 0 of [i, i+1] bins
    t = jax.random.uniform(key, (), dtype=jnp.float32, minval=0.0, maxval=1.0)
    # learned/config parameter: the interval table, translated from the Python
    # Sequence of (lo, hi) pairs in __init__ to a [K, 2] float array
    starts = jnp.arange(NUM_INTERVALS, dtype=jnp.float32)
    intervals = jnp.stack([starts, starts + 1.0], axis=1)
    return {"t": t, "intervals": intervals}

def reference(t, intervals):
    # Faithful translation of TimeToInterval.__call__:
    #   jnp.where(jnp.array([ (t >= lo) & (t <= hi) for (lo, hi) in intervals ]),
    #             size=1, fill_value=-1)[0][0]
    cond = jnp.logical_and(t >= intervals[:, 0], t <= intervals[:, 1])
    idx = jnp.where(cond, size=1, fill_value=-1)[0][0]
    return idx

if __name__ == "__main__":
    import jax
    _d = setup_inputs()
    print(jax.jit(kernel)(*tuple(_d.values())))

</pallas_src>

<mosaic_0001>
#map = affine_map<(d0) -> (0)>
module attributes {stable_mosaic.version = 14 : i64} {
  func.func @_scs_body(%arg0: i32, %arg1: memref<1xf32, #tpu.memory_space<hbm>>, %arg2: memref<256xf32, #tpu.memory_space<hbm>>, %arg3: memref<1xi32, #tpu.memory_space<hbm>>, %arg4: memref<1xf32, #tpu.memory_space<smem>>, %arg5: memref<256xf32, #tpu.memory_space<smem>>, %arg6: memref<1xi32, #tpu.memory_space<smem>>, %arg7: memref<!tpu.dma_semaphore, #tpu.memory_space<semaphore_mem>>, %arg8: memref<!tpu.dma_semaphore, #tpu.memory_space<semaphore_mem>>) attributes {dimension_semantics = [#tpu.dimension_semantics<core_parallel>], iteration_bounds = array<i64: 1>, scalar_prefetch = 0 : i64, scratch_operands = 5 : i64, tpu.core_type = #tpu.core_type<sc_scalar_subcore>, window_params = [{transform_indices = #map}, {transform_indices = #map}, {transform_indices = #map}]} {
    %eq3A = arith.constant 0 : i32
    %eq3A_0 = arith.cmpi eq, %arg0, %eq3A : i32
    %convert_element_type3A = arith.extui %eq3A_0 : i1 to i32
    %cond3A = arith.constant 0 : i32
    %cond3A_1 = arith.cmpi ne, %convert_element_type3A, %cond3A : i32
    scf.if %cond3A_1 {
      tpu.enqueue_dma source(%arg1 : memref<1xf32, #tpu.memory_space<hbm>>) target(%arg4 : memref<1xf32, #tpu.memory_space<smem>>) target_semaphore(%arg7 : memref<!tpu.dma_semaphore, #tpu.memory_space<semaphore_mem>>)
      tpu.enqueue_dma source(%arg2 : memref<256xf32, #tpu.memory_space<hbm>>) target(%arg5 : memref<256xf32, #tpu.memory_space<smem>>) target_semaphore(%arg8 : memref<!tpu.dma_semaphore, #tpu.memory_space<semaphore_mem>>)
      tpu.wait_dma2 semaphore(%arg7 : memref<!tpu.dma_semaphore, #tpu.memory_space<semaphore_mem>>) src(%arg1 : memref<1xf32, #tpu.memory_space<hbm>>) dst(%arg4 : memref<1xf32, #tpu.memory_space<smem>>)
      tpu.wait_dma2 semaphore(%arg8 : memref<!tpu.dma_semaphore, #tpu.memory_space<semaphore_mem>>) src(%arg2 : memref<256xf32, #tpu.memory_space<hbm>>) dst(%arg5 : memref<256xf32, #tpu.memory_space<smem>>)
      %get3A = arith.constant 0 : i32
      %get3A_2 = arith.index_cast %get3A : i32 to index
      %get3A_3 = memref.load %arg4[%get3A_2] : memref<1xf32, #tpu.memory_space<smem>>
      %while3A = arith.constant 0 : i32
      %while3A_4 = arith.constant false
      %while3A_5:2 = scf.while (%while3A_8 = %while3A, %while3A_9 = %while3A_4) : (i32, i1) -> (i32, i1) {
        %lt3A = arith.constant 128 : i32
        %lt3A_10 = arith.cmpi slt, %while3A_8, %lt3A : i32
        %not3A = arith.constant true
        %not3A_11 = arith.xori %while3A_9, %not3A : i1
        %and3A = arith.andi %lt3A_10, %not3A_11 : i1
        scf.condition(%and3A) %while3A_8, %while3A_9 : i32, i1
      } do {
      ^bb0(%while3A_8: i32, %while3A_9: i1):
        %mul3A = arith.constant 2 : i32
        %mul3A_10 = arith.muli %mul3A, %while3A_8 : i32
        %get3A_11 = arith.index_cast %mul3A_10 : i32 to index
        %get3A_12 = memref.load %arg5[%get3A_11] : memref<256xf32, #tpu.memory_space<smem>>
        %ge3A = arith.cmpf oge, %get3A_3, %get3A_12 : f32
        %mul3A_13 = arith.constant 2 : i32
        %mul3A_14 = arith.muli %mul3A_13, %while3A_8 : i32
        %add3A = arith.constant 1 : i32
        %add3A_15 = arith.addi %mul3A_14, %add3A : i32
        %get3A_16 = arith.index_cast %add3A_15 : i32 to index
        %get3A_17 = memref.load %arg5[%get3A_16] : memref<256xf32, #tpu.memory_space<smem>>
        %le3A = arith.cmpf ole, %get3A_3, %get3A_17 : f32
        %and3A = arith.andi %ge3A, %le3A : i1
        %add3A_18 = arith.constant 1 : i32
        %add3A_19 = arith.addi %while3A_8, %add3A_18 : i32
        %select_n3A_20 = arith.select %and3A, %while3A_8, %add3A_19 : i32
        scf.yield %select_n3A_20, %and3A : i32, i1
      }
      %jit3A = arith.constant -1 : i32
      %select_n3A = arith.select %while3A_5#1, %while3A_5#0, %jit3A : i32
      %swap3A = arith.constant 0 : i32
      %swap3A_6 = arith.index_cast %swap3A : i32 to index
      %swap3A_7 = memref.load %arg6[%swap3A_6] : memref<1xi32, #tpu.memory_space<smem>>
      memref.store %select_n3A, %arg6[%swap3A_6] : memref<1xi32, #tpu.memory_space<smem>>
      "tpu.region"() ({
        %run_scoped3A = tpu.sem_alloc : memref<!tpu.dma_semaphore, #tpu.memory_space<semaphore_mem>>
        tpu.enqueue_dma source(%arg6 : memref<1xi32, #tpu.memory_space<smem>>) target(%arg3 : memref<1xi32, #tpu.memory_space<hbm>>) target_semaphore(%run_scoped3A : memref<!tpu.dma_semaphore, #tpu.memory_space<semaphore_mem>>)
        tpu.wait_dma2 semaphore(%run_scoped3A : memref<!tpu.dma_semaphore, #tpu.memory_space<semaphore_mem>>) src(%arg6 : memref<1xi32, #tpu.memory_space<smem>>) dst(%arg3 : memref<1xi32, #tpu.memory_space<hbm>>)
        tpu.yield
      }) : () -> ()
    } else {
    }
    return
  }
}

</mosaic_0001>

<sc_bundles>
// kernel: _time_to_interval.3.cloned.1.call-start
scs
__scs_entry_jumppad:
0x0: {  	(pc) =	sbr.rel $0x88, $3  }
0x1: {  	(tag) =	ssettag $0x0;
	lr =	simm.s32 $0x1  }
0x2: {  	[smem:$0x3F9F] =	sst lr;
	_ =	strace $0xD0000000  }
0x3: {  	_ = 	snop  }
0x4: {  	_ = 	snop  }
0x5: {  	_ = 	snop  }
0x6: {  	_ = 	snop  }
0x7: {  	_ = 	snop  }
__scs_overlays_trampoline_lowered:
0x8: {  	[smem:$0x3FAE] =	sst s0  }
0x9: {  	[smem:$0x3FAF] =	sst s1  }
0xa: {  	[smem:$0x3FB0] =	sst s2  }
0xb: {  	[smem:$0x3FB1] =	sst s3  }
0xc: {  	[smem:$0x3FB2] =	sst s4  }
0xd: {  	[smem:$0x3FB3] =	sst s5  }
0xe: {  	[smem:$0x3FB4] =	sst s6  }
0xf: {  	[smem:$0x3FB5] =	sst s7  }
0x10: {  	[smem:$0x3FB6] =	sst s8  }
0x11: {  	[smem:$0x3FB7] =	sst s9;
	s0 =	simm.s32 @!p0 $0x0  }
0x12: {  	s1 =	sld [smem:$0x3F9D];
	s0 =	simm.s32 @p0 $0x1  }
0x13: {  	[smem:$0x3FB8] =	sst s0;
	s0 =	simm.s32 @!p1 $0x0  }
0x14: {  	s2 =	sld [smem:$0x3F9C];
	s0 =	simm.s32 @p1 $0x1  }
0x15: {  	[smem:$0x3FB9] =	sst s0;
	s0 =	simm.s32 @!p2 $0x0  }
0x16: {  	s3 =	sld [smem:$0x3FDB];
	s0 =	simm.s32 @p2 $0x1  }
0x17: {  	s4 =	simm.s32 $0x1BF5;
	[smem:$0x3FBB] =	sst s0  }
0x18: {  	s0 =	sld [smem:$0x3F9E];
	_ =	swait.ge [sflag:s4], $0x0  }
0x19: {  	s7 =	sld [smem:$0x3F9F]  }
0x1a: {  	s8 =	sadd.s32 $0xFFFFE003, lr  }
0x1b: {  	s9 =	sadd.s32 $0xFFFFFEF7, lr;
	s5 =	simm.s32 $0xFFFFFFFF;
	p2 =	slt.u32 s8, $0xFFFFF086  }
0x1c: {  	p1 =	slt.u32 s9, $0xF7A;
	s5 =	simm.s32 @!p2 $0x0  }
0x1d: {  	s5 =	simm.s32 @p1 $0x1;
	p0 =	seq.s32 s7, s2  }
0x1e: {  	s7 =	smul.u32 @!p0 $0xF7A, s2;
	p2 =	seq.s32 @!p0 s5, $0x0  }
0x1f: {  	s9 =	smul.u32 $0xF7A, s1;
	s8 =	simm.s32 @!p0 $0x1BF5;
	p2 =	por !p2, p0  }
0x20: {  	[sflag:s8] =	ssyncset.s32 @!p0 $0xFFFFF086;
	s6 =	sadd.s32 @!p0 s3, s7;
	s7 =	simm.s32 @!p0 $0x108  }
0x21: {  	s3 =	sadd.s32 s3, s9;
	s6 =	sadd.s32 @!p0 $0x88, s6;
	s7 =	simm.s32 @p2 $0x1082  }
0x22: {  	[simem:s7], [sflag:s8] =	dma.local @!p0 [hbm:s6], $0xF7A  }
0x23: {  	s9 =	sor.u32 $0xD0000000, s2;
	s6 =	simm.s32 $0x108;
	_ =	swait.ge @!p0 [sflag:s8], $0x0  }
0x24: {  	s3 =	sadd.s32 $0x88, s3;
	s6 =	simm.s32 @!p1 $0x1082;
	[sflag:s4] =	ssyncset.s32 $0xFFFFF086  }
0x25: {  	[simem:s6], [sflag:s4] =	dma.local [hbm:s3], $0xF7A  }
0x26: {  	[smem:$0x3F9F] =	sst s1;
	(tag) =	ssettag s2;
	_ =	strace s9  }
0x27: {  	s1 =	sld [smem:$0x3FAF]  }
0x28: {  	s2 =	sld [smem:$0x3FB0]  }
0x29: {  	s4 =	sld [smem:$0x3FB2]  }
0x2a: {  	p0 =	seq.s32 s5, $0x0;
	s5 =	sld [smem:$0x3FB3]  }
0x2b: {  	s6 =	sld [smem:$0x3FB4]  }
0x2c: {  	s7 =	sld [smem:$0x3FB5]  }
0x2d: {  	s3 =	simm.s32 $0x108;
	s8 =	sld [smem:$0x3FB6]  }
0x2e: {  	s3 =	simm.s32 @!p0 $0x1082;
	s9 =	sld [smem:$0x3FB7]  }
0x2f: {  	lr =	sadd.s32 s0, s3;
	s0 =	sld [smem:$0x3FAE]  }
0x30: {  	s3 =	sld [smem:$0x3FB1]  }
0x31: {  	[smem:$0x3FBA] =	sst s10  }
0x32: {  	s10 =	sld [smem:$0x3FB8];
	_ =	sdelay $0x3  }
0x33: {  	p0 =	seq.s32 s10, $0x1;
	s10 =	sld [smem:$0x3FBA];
	_ =	sdelay $0x3  }
0x34: {  	[smem:$0x3FBA] =	sst s10  }
0x35: {  	s10 =	sld [smem:$0x3FB9];
	_ =	sdelay $0x3  }
0x36: {  	p1 =	seq.s32 s10, $0x1;
	s10 =	sld [smem:$0x3FBA];
	_ =	sdelay $0x3  }
0x37: {  	[smem:$0x3FBA] =	sst s10  }
0x38: {  	s10 =	sld [smem:$0x3FBB]  }
0x39: {  	_ = 	snop;
	(pc) =	sbr.ind lr, $3  }
0x3a: {  	_ = 	snop  }
0x3b: {  	_ = 	snop  }
0x3c: {  	p2 =	seq.s32 s10, $0x1;
	s10 =	sld [smem:$0x3FBA]  }
0x3d: {  	_ =	shalt  }
0x3e: {  	_ =	shalt  }
0x3f: {  	_ =	shalt  }
0x40: {  	_ =	shalt  }
0x41: {  	_ =	shalt  }
0x42: {  	_ =	shalt  }
0x43: {  	_ =	shalt  }
0x44: {  	_ =	shalt  }
0x45: {  	_ =	shalt  }
0x46: {  	_ =	shalt  }
0x47: {  	_ =	shalt  }
0x48: {  	_ =	shalt  }
0x49: {  	_ =	shalt  }
0x4a: {  	_ =	shalt  }
0x4b: {  	_ =	shalt  }
0x4c: {  	_ =	shalt  }
0x4d: {  	_ =	shalt  }
0x4e: {  	_ =	shalt  }
0x4f: {  	_ =	shalt  }
0x50: {  	_ =	shalt  }
0x51: {  	_ =	shalt  }
0x52: {  	_ =	shalt  }
0x53: {  	_ =	shalt  }
0x54: {  	_ =	shalt  }
0x55: {  	_ =	shalt  }
0x56: {  	_ =	shalt  }
0x57: {  	_ =	shalt  }
0x58: {  	_ =	shalt  }
0x59: {  	_ =	shalt  }
0x5a: {  	_ =	shalt  }
0x5b: {  	_ =	shalt  }
0x5c: {  	_ =	shalt  }
0x5d: {  	_ =	shalt  }
0x5e: {  	_ =	shalt  }
0x5f: {  	_ =	shalt  }
0x60: {  	_ =	shalt  }
0x61: {  	_ =	shalt  }
0x62: {  	_ =	shalt  }
0x63: {  	_ =	shalt  }
0x64: {  	_ =	shalt  }
0x65: {  	_ =	shalt  }
0x66: {  	_ =	shalt  }
0x67: {  	_ =	shalt  }
0x68: {  	_ =	shalt  }
0x69: {  	_ =	shalt  }
0x6a: {  	_ =	shalt  }
0x6b: {  	_ =	shalt  }
0x6c: {  	_ =	shalt  }
0x6d: {  	_ =	shalt  }
0x6e: {  	_ =	shalt  }
0x6f: {  	_ =	shalt  }
0x70: {  	_ =	shalt  }
0x71: {  	_ =	shalt  }
0x72: {  	_ =	shalt  }
0x73: {  	_ =	shalt  }
0x74: {  	_ =	shalt  }
0x75: {  	_ =	shalt  }
0x76: {  	_ =	shalt  }
0x77: {  	_ =	shalt  }
0x78: {  	_ =	shalt  }
0x79: {  	_ =	shalt  }
0x7a: {  	_ =	shalt  }
0x7b: {  	_ =	shalt  }
0x7c: {  	_ =	shalt  }
0x7d: {  	_ =	shalt  }
0x7e: {  	_ =	shalt  }
0x7f: {  	_ =	shalt  }
0x80: {  	_ =	shalt  }
0x81: {  	_ =	shalt  }
0x82: {  	_ =	shalt  }
0x83: {  	_ =	shalt  }
0x84: {  	_ =	shalt  }
0x85: {  	_ =	shalt  }
0x86: {  	_ =	shalt  }
0x87: {  	_ =	shalt  }
.Lfunc_end0:
.L_simem_size_0:
called_computation_lowered:
.L_overlay_start_0:
0x88: {  	s0 =	sld [smem:$0x3FD9]  }
0x89: {  	s1 =	sld [smem:$0x3FFE];
	_ =	sdelay $0x3  }
0x8a: {  	s0 =	sadd.s32 s1, s0  }
0x8b: {  	[smem:$0x3FC6] =	sst s0  }
0x8c: {  	_ = 	snop  }
0x8d: {  	s25 =	sld [smem:$0x3FC9]  }
0x8e: {  	s2 =	sld [smem:$0x3FC8]  }
0x8f: {  	s0 =	sld [smem:$0x3FD0];
	(tm) =	ssettm $0x1  }
0x90: {  	s3 =	sld [smem:$0x3FFB];
	_ =	sdelay $0x3  }
0x91: {  	_ =	strace s3  }
0x92: {  	s3 =	sld [smem:$0x3FFC];
	_ =	sdelay $0x3  }
0x93: {  	_ =	strace s3  }
0x94: {  	s3 =	sld [smem:$0x3FFD];
	_ =	sdelay $0x3  }
0x95: {  	_ =	strace s3  }
0x96: {  	s26 =	simm.s32 $0x1B8B;
	_ =	strace $0x8FFFFFFF  }
0x97: {  	_ =	swait.ge [sflag:s26], $0x1  }
0x98: {  	[sflag:s26] =	ssyncset.done $0x0  }
0x99: {  	s28 =	simm.s32 $0x1B8E;
	[sflag:s26] =	ssyncadd.s32 $0xFFFFFFFF  }
0x9a: {  	s29 =	simm.s32 $0x9;
	s4 =	simm.s32 $0x10;
	[smem:$0x3FD2] =	sst s28  }
0x9b: {  	s30 =	simm.s32 $0xA;
	s31 =	simm.s32 $0x90;
	_ =	strace $0x80000046  }
0x9c: {  	[smem:s4], [sflag:s29] =	dma.local [hbm:s25], $0x10  }
0x9d: {  	[smem:s31], [sflag:s30] =	dma.local [hbm:s2], $0x20  }
0x9e: {  	_ =	swait.ge [sflag:s29], $0x10  }
0x9f: {  	[sflag:s29] =	ssyncset.done $0x0  }
0xa0: {  	[sflag:s29] =	ssyncadd.s32 $0xFFFFFFF0;
	_ =	sdelay $0x2  }
0xa1: {  	_ =	swait.ge [sflag:s30], $0x20  }
0xa2: {  	[sflag:s30] =	ssyncset.done $0x0  }
0xa3: {  	[sflag:s30] =	ssyncadd.s32 $0xFFFFFFE0  }
0xa4: {  	s1 =	srdreg.scid;
	s4 =	simm.s32 $0x0;
	s3 =	sld [smem:$0x10]  }
.LBB1_1:
0xa5: {  	s31 =	sshll.u32 s4, $0x1  }
0xa6: {  	s2 =	smov.u32 s4;
	s4 =	sand.u32 $0x3FFFFFFE, s31  }
0xa7: {  	s5 =	sld [smem:s4+$0x90]  }
0xa8: {  	s4 =	sld [smem:s4+$0x91];
	_ =	sdelay $0x3  }
0xa9: {  	p0 =	sge.f32 s3, s5;
	p1 =	sle.f32 s3, s4  }
0xaa: {  	_ = 	snop  }
0xab: {  	s4 =	simm.s32 $0x1;
	p0 =	por !p0, !p1  }
0xac: {  	s4 =	simm.s32 @!p0 $0x0  }
0xad: {  	s4 =	sadd.s32 s4, s2  }
0xae: {  	p0 =	por !p0, !p0;
	p6 =	sgt.u32 s4, $0x7F  }
0xaf: {  	p1 =	por p6, p0  }
.Ltmp0:
0xb0: {  	_ = 	snop;
	(pc) =	sbr.rel @!p1 .LBB1_1-.Ltmp0, $1  }
0xb1: {  	_ =	sdelay $0x2  }
0xb2: {  	s2 =	simm.s32 @!p0 $0xFFFFFFFF  }
0xb3: {  	s26 =	simm.s32 $0x190;
	s3 =	simm.s32 $0xB;
	[smem:$0x190] =	sst s2  }
0xb4: {  	[hbm:s0], [sflag:s3] =	dma.local [smem:s26], $0x10  }
0xb5: {  	_ =	swait.ge [sflag:s3], $0x10  }
0xb6: {  	[sflag:s3] =	ssyncset.done $0x0  }
0xb7: {  	[sflag:s3] =	ssyncadd.s32 $0xFFFFFFF0  }
0xb8: {  	_ =	strace $0x90000046  }
0xb9: {  	_ =	sfence  }
0xba: {  	s28 =	sld [smem:$0x0];
	_ =	sdelay $0x2  }
0xbb: {  	s29 =	sshll.u32 s1, $0xD;
	s30 =	sshrl.u32 s1, $0x2  }
0xbc: {  	s31 =	sand.u32 $0x1, s1;
	s2 =	sand.u32 $0x4000, s29;
	s0 =	sadd.s32 s30, s28  }
0xbd: {  	s1 =	sor.u32 s2, s31;
	s0 =	sshll.u32 s0, $0x11  }
0xbe: {  	s0 =	sor.u32 s0, s1  }
0xbf: {  	s0 =	sadd.s32 $0x8F2B, s0;
	(pc) =	sbr.abs _section_cstart, $3  }
0xc0: {  	[sflag:s0] =	ssyncadd.remote.s32 $0x1  }
0xc1: {  	_ =	strace $0x9FFFFFFF  }
0xc2: {  	(tm) =	ssettm $0x7FFFFFFF  }
0xc3: {  	_ =	shalt  }

</sc_bundles>
